<compile_context>
chip_gen: v7x
topology: tpu7x:2x2x1
jax: 0.10.2.dev20260603
libtpu: 0.0.44.dev20260713+nightly
codegen_flags: <defaults>
</compile_context>

<pallas_src>
import functools

import jax
import jax.numpy as jnp
from jax import lax
from jax.experimental import pallas as pl
from jax.experimental.pallas import tpu as pltpu
from jax.experimental.pallas import tpu_sc as plsc

VOCAB = 100000
DIM = 64
BATCH = 1024
CTX = 20

_LANES = 16


_PAIR = 2 * DIM


def _make_pool_kernel(num_cores, num_subcores):
    nw = num_cores * num_subcores
    bpw = BATCH // nw
    ipw = bpw * CTX
    mesh = plsc.VectorSubcoreMesh(core_axis_name="c", subcore_axis_name="s")

    @functools.partial(
        pl.kernel,
        mesh=mesh,
        out_type=jax.ShapeDtypeStruct((BATCH * DIM,), jnp.float32),
        scratch_types=[
            pltpu.VMEM((ipw,), jnp.int32),
            pltpu.VMEM((ipw,), jnp.int32),
            pltpu.VMEM((ipw,), jnp.int32),
            pltpu.VMEM((ipw, _PAIR), jnp.float32),
            pltpu.VMEM((bpw * DIM,), jnp.float32),
            pltpu.SemaphoreType.DMA,
        ],
        compiler_params=pltpu.CompilerParams(needs_layout_passes=False),
    )
    def pool(idx_hbm, table_hbm, out_hbm, idx_v, phys_v, par_v, rows_v,
             pooled_v, sem):
        wid = lax.axis_index("s") * num_cores + lax.axis_index("c")
        pltpu.sync_copy(idx_hbm.at[pl.ds(wid * ipw, ipw)], idx_v)

        def split(g, carry):
            v = idx_v[pl.ds(g * _LANES, _LANES)]
            phys_v[pl.ds(g * _LANES, _LANES)] = lax.shift_right_logical(v, 1)
            par_v[pl.ds(g * _LANES, _LANES)] = lax.bitwise_and(v, 1) * DIM
            return carry

        lax.fori_loop(0, ipw // _LANES, split, 0)
        pltpu.async_copy(table_hbm.at[phys_v], rows_v, sem).wait()

        scale = jnp.float32(1.0 / CTX)
        zero = jnp.zeros((_LANES,), jnp.float32)
        lanes = lax.iota(jnp.int32, _LANES)

        def body(b, carry):
            r0 = b * CTX

            def jloop(j, accs):
                r = r0 + j
                rb = jnp.full((_LANES,), r, jnp.int32)
                half = plsc.load_gather(par_v, [rb])
                out = []
                for c in range(DIM // _LANES):
                    col = half + (c * _LANES) + lanes
                    out.append(accs[c] + plsc.load_gather(rows_v, [rb, col]))
                return tuple(out)

            accs = lax.fori_loop(0, CTX, jloop, (zero, zero, zero, zero))
            for c in range(DIM // _LANES):
                pooled_v[pl.ds(b * DIM + c * _LANES, _LANES)] = accs[c] * scale
            return carry

        lax.fori_loop(0, bpw, body, 0)
        pltpu.sync_copy(pooled_v, out_hbm.at[pl.ds(wid * bpw * DIM, bpw * DIM)])

    return pool


_VB = 2048


def _mm_body(pooled_ref, w_ref, b_ref, out_ref):
    out_ref[...] = lax.dot_general(
        pooled_ref[...].astype(jnp.bfloat16),
        w_ref[...].astype(jnp.bfloat16),
        (((1,), (1,)), ((), ())),
        preferred_element_type=jnp.float32,
    ) + b_ref[0, :][None, :]


def _make_matmul():
    return pl.pallas_call(
        _mm_body,
        grid=(pl.cdiv(VOCAB, _VB),),
        in_specs=[
            pl.BlockSpec((BATCH, DIM), lambda i: (0, 0)),
            pl.BlockSpec((_VB, DIM), lambda i: (i, 0)),
            pl.BlockSpec((1, _VB), lambda i: (0, i)),
        ],
        out_specs=pl.BlockSpec((BATCH, _VB), lambda i: (0, i)),
        out_shape=jax.ShapeDtypeStruct((BATCH, VOCAB), jnp.float32),
        compiler_params=pltpu.CompilerParams(
            dimension_semantics=("parallel",)
        ),
    )


def kernel(x, embed_weight, fc1_weight, fc1_bias):
    info = plsc.get_sparse_core_info()
    pool = _make_pool_kernel(info.num_cores, info.num_subcores)
    idx = x.reshape(-1).astype(jnp.int32)
    table2 = embed_weight.reshape(VOCAB // 2, _PAIR)
    pooled = pool(idx, table2).reshape(BATCH, DIM)
    matmul = _make_matmul()
    return matmul(pooled, fc1_weight, fc1_bias.reshape(1, VOCAB))

# --- scband reference (transcript-rebuilt; emitter-appended) ---
"""Pipeline reference for scband-cbownet-64029372449318 (READ-ONLY COPY).

The authoritative reference and input builder live on the scoring server;
editing this copy changes nothing except your own understanding.
"""

import jax, jax.numpy as jnp
import numpy as np

VOCAB = 100000
DIM = 64
BATCH = 1024
CTX = 20

def setup_inputs(seed: int = 0) -> dict:
    key = jax.random.key(seed)
    k_idx, k_emb, k_w, k_b = jax.random.split(key, 4)
    x = jax.random.randint(k_idx, (BATCH, CTX), 0, VOCAB, dtype=jnp.int64 if jax.config.jax_enable_x64 else jnp.int32)
    embed_weight = jax.random.normal(k_emb, (VOCAB, DIM), dtype=jnp.float32)
    fc1_weight = jax.random.normal(k_w, (VOCAB, DIM), dtype=jnp.float32) * (1.0 / np.sqrt(DIM))
    fc1_bias = jax.random.normal(k_b, (VOCAB,), dtype=jnp.float32) * 0.01
    return {"x": x, "embed_weight": embed_weight, "fc1_weight": fc1_weight, "fc1_bias": fc1_bias}

def reference(x, embed_weight, fc1_weight, fc1_bias):
    # nn.Embedding lookup: gather rows of table
    emb = jnp.take(embed_weight, x, axis=0)            # [B, CTX, DIM]
    # mean over context dimension
    pooled = emb.mean(axis=1)                          # [B, DIM]
    # nn.Linear(dimension, vocab_size): y = pooled @ W^T + b
    logits = pooled @ fc1_weight.T + fc1_bias          # [B, VOCAB]
    return logits

if __name__ == "__main__":
    import jax
    _d = setup_inputs()
    print(jax.jit(kernel)(*tuple(_d.values())))

</pallas_src>

<mosaic_0001>
#map = affine_map<(d0, d1) -> (0)>
#map1 = affine_map<(d0, d1) -> (0, 0)>
module attributes {stable_mosaic.version = 14 : i64} {
  func.func @pool(%arg0: i32, %arg1: i32, %arg2: memref<20480xi32, #tpu.memory_space<hbm>>, %arg3: memref<50000x128xf32, #tpu.memory_space<hbm>>, %arg4: memref<65536xf32, #tpu.memory_space<hbm>>, %arg5: memref<640xi32, #tpu.memory_space<vmem>>, %arg6: memref<640xi32, #tpu.memory_space<vmem>>, %arg7: memref<640xi32, #tpu.memory_space<vmem>>, %arg8: memref<640x128xf32, #tpu.memory_space<vmem>>, %arg9: memref<2048xf32, #tpu.memory_space<vmem>>, %arg10: memref<!tpu.dma_semaphore, #tpu.memory_space<semaphore_mem>>) attributes {dimension_semantics = [#tpu.dimension_semantics<core_parallel>, #tpu.dimension_semantics<subcore_parallel>], iteration_bounds = array<i64: 2, 16>, scalar_prefetch = 0 : i64, scratch_operands = 6 : i64, tpu.core_type = #tpu.core_type<sc_vector_subcore>, window_params = [{transform_indices = #map}, {transform_indices = #map1}, {transform_indices = #map}]} {
    %mul3A = arith.constant 2 : i32
    %mul3A_0 = arith.muli %arg1, %mul3A : i32
    %add3A = arith.addi %mul3A_0, %arg0 : i32
    %mul3A_1 = arith.constant 640 : i32
    %mul3A_2 = arith.muli %add3A, %mul3A_1 : i32
    "tpu.region"() ({
      %run_scoped3A = tpu.sem_alloc : memref<!tpu.dma_semaphore, #tpu.memory_space<semaphore_mem>>
      %dma_start3A_24 = tpu.memref_slice %arg2[%mul3A_2] : memref<20480xi32, #tpu.memory_space<hbm>> -> memref<640xi32, #tpu.memory_space<hbm>>
      %dma_start3A_25 = tpu.memref_slice %arg2[%mul3A_2] : memref<20480xi32, #tpu.memory_space<hbm>> -> memref<640xi32, #tpu.memory_space<hbm>>
      tpu.enqueue_dma source(%dma_start3A_25 : memref<640xi32, #tpu.memory_space<hbm>>) target(%arg5 : memref<640xi32, #tpu.memory_space<vmem>>) target_semaphore(%run_scoped3A : memref<!tpu.dma_semaphore, #tpu.memory_space<semaphore_mem>>)
      %dma_wait3A_26 = tpu.memref_slice %arg2[%mul3A_2] : memref<20480xi32, #tpu.memory_space<hbm>> -> memref<640xi32, #tpu.memory_space<hbm>>
      %dma_wait3A_27 = tpu.memref_slice %arg2[%mul3A_2] : memref<20480xi32, #tpu.memory_space<hbm>> -> memref<640xi32, #tpu.memory_space<hbm>>
      tpu.wait_dma2 semaphore(%run_scoped3A : memref<!tpu.dma_semaphore, #tpu.memory_space<semaphore_mem>>) src(%dma_wait3A_27 : memref<640xi32, #tpu.memory_space<hbm>>) dst(%arg5 : memref<640xi32, #tpu.memory_space<vmem>>)
      tpu.yield
    }) : () -> ()
    %scan3A = arith.constant 0 : i32
    %scan3A_3 = arith.constant 0 : i32
    %scan3A_4 = arith.constant 40 : i32
    %scan3A_5 = arith.addi %scan3A_3, %scan3A_4 : i32
    %scan3A_6 = arith.constant 1 : i32
    scf.for %scan3A_24 = %scan3A_3 to %scan3A_5 step %scan3A_6  : i32 {
      %mul3A_25 = arith.constant 16 : i32
      %mul3A_26 = arith.muli %scan3A_24, %mul3A_25 : i32
      %get3A = arith.index_cast %mul3A_26 : i32 to index
      %get3A_27 = tpu.vector_load %arg5[%get3A] {strides = array<i32>} : memref<640xi32, #tpu.memory_space<vmem>>, vector<16xi32>,
      %shift_right_logical3A = arith.constant 1 : i32
      %shift_right_logical3A_28 = vector.broadcast %shift_right_logical3A : i32 to vector<16xi32>
      %shift_right_logical3A_29 = arith.shrui %get3A_27, %shift_right_logical3A_28 : vector<16xi32>
      %mul3A_30 = arith.constant 16 : i32
      %mul3A_31 = arith.muli %scan3A_24, %mul3A_30 : i32
      %swap3A = arith.index_cast %mul3A_31 : i32 to index
      %swap3A_32 = tpu.vector_load %arg6[%swap3A] {strides = array<i32>} : memref<640xi32, #tpu.memory_space<vmem>>, vector<16xi32>,
      tpu.vector_store %arg6[%swap3A], %shift_right_logical3A_29 {strides = array<i32>} : memref<640xi32, #tpu.memory_space<vmem>>, vector<16xi32>,
      %and3A = arith.constant 1 : i32
      %and3A_33 = vector.broadcast %and3A : i32 to vector<16xi32>
      %and3A_34 = arith.andi %get3A_27, %and3A_33 : vector<16xi32>
      %mul3A_35 = arith.constant 64 : i32
      %mul3A_36 = vector.broadcast %mul3A_35 : i32 to vector<16xi32>
      %mul3A_37 = arith.muli %and3A_34, %mul3A_36 : vector<16xi32>
      %mul3A_38 = arith.constant 16 : i32
      %mul3A_39 = arith.muli %scan3A_24, %mul3A_38 : i32
      %swap3A_40 = arith.index_cast %mul3A_39 : i32 to index
      %swap3A_41 = tpu.vector_load %arg7[%swap3A_40] {strides = array<i32>} : memref<640xi32, #tpu.memory_space<vmem>>, vector<16xi32>,
      tpu.vector_store %arg7[%swap3A_40], %mul3A_37 {strides = array<i32>} : memref<640xi32, #tpu.memory_space<vmem>>, vector<16xi32>,
    }
    %scan3A_7 = arith.constant 40 : i32
    %dma_start3A = arith.constant 0 : i32
    %dma_start3A_8 = arith.constant 0 : i32
    %dma_start3A_9 = tpu.memref_slice %arg3[%dma_start3A, %dma_start3A_8] : memref<50000x128xf32, #tpu.memory_space<hbm>> -> memref<50000x128xf32, #tpu.memory_space<hbm>>
    tpu.enqueue_indirect_dma source(%dma_start3A_9 : memref<50000x128xf32, #tpu.memory_space<hbm>>) target(%arg8 : memref<640x128xf32, #tpu.memory_space<vmem>>) offsets(%arg6 : memref<640xi32, #tpu.memory_space<vmem>>) semaphore(%arg10 : memref<!tpu.dma_semaphore, #tpu.memory_space<semaphore_mem>>)
    %dma_wait3A = arith.constant 0 : i32
    %dma_wait3A_10 = arith.constant 0 : i32
    %dma_wait3A_11 = tpu.memref_slice %arg3[%dma_wait3A, %dma_wait3A_10] : memref<50000x128xf32, #tpu.memory_space<hbm>> -> memref<50000x128xf32, #tpu.memory_space<hbm>>
    tpu.wait_indirect_dma semaphore(%arg10 : memref<!tpu.dma_semaphore, #tpu.memory_space<semaphore_mem>>) src(%dma_wait3A_11 : memref<50000x128xf32, #tpu.memory_space<hbm>>) dst(%arg8 : memref<640x128xf32, #tpu.memory_space<vmem>>)
    %broadcast_in_dim3A = arith.constant 0.000000e+00 : f32
    %broadcast_in_dim3A_12 = vector.broadcast %broadcast_in_dim3A : f32 to vector<16xf32>
    %iota3A = tpu.iota {dimensions = array<i32: 0>} : vector<16xi32>
    %scan3A_13 = arith.constant 0 : i32
    %scan3A_14 = arith.constant 5.000000e-02 : f32
    %scan3A_15 = arith.constant 0 : i32
    %scan3A_16 = arith.constant 32 : i32
    %scan3A_17 = arith.addi %scan3A_15, %scan3A_16 : i32
    %scan3A_18 = arith.constant 1 : i32
    scf.for %scan3A_24 = %scan3A_15 to %scan3A_17 step %scan3A_18  : i32 {
      %mul3A_25 = arith.constant 20 : i32
      %mul3A_26 = arith.muli %scan3A_24, %mul3A_25 : i32
      %scan3A_27 = arith.constant 0 : i32
      %scan3A_28 = arith.constant 20 : i32
      %scan3A_29 = arith.addi %scan3A_27, %scan3A_28 : i32
      %scan3A_30 = arith.constant 1 : i32
      %scan3A_31:4 = scf.for %scan3A_64 = %scan3A_27 to %scan3A_29 step %scan3A_30 iter_args(%scan3A_65 = %broadcast_in_dim3A_12, %scan3A_66 = %broadcast_in_dim3A_12, %scan3A_67 = %broadcast_in_dim3A_12, %scan3A_68 = %broadcast_in_dim3A_12) -> (vector<16xf32>, vector<16xf32>, vector<16xf32>, vector<16xf32>)  : i32 {
        %add3A_69 = arith.addi %mul3A_26, %scan3A_64 : i32
        %broadcast_in_dim3A_70 = vector.broadcast %add3A_69 : i32 to vector<16xi32>
        %gather3A = tpu.vector_load_idx %arg7[%broadcast_in_dim3A_70] : memref<640xi32, #tpu.memory_space<vmem>>[vector<16xi32>], vector<16xi32>,
        %add3A_71 = arith.constant 0 : i32
        %add3A_72 = vector.broadcast %add3A_71 : i32 to vector<16xi32>
        %add3A_73 = arith.addi %gather3A, %add3A_72 : vector<16xi32>
        %add3A_74 = arith.addi %add3A_73, %iota3A : vector<16xi32>
        %gather3A_75 = tpu.vector_load_idx %arg8[%broadcast_in_dim3A_70, %add3A_74] : memref<640x128xf32, #tpu.memory_space<vmem>>[vector<16xi32>, vector<16xi32>], vector<16xf32>,
        %add3A_76 = arith.addf %scan3A_65, %gather3A_75 : vector<16xf32>
        %add3A_77 = arith.constant 16 : i32
        %add3A_78 = vector.broadcast %add3A_77 : i32 to vector<16xi32>
        %add3A_79 = arith.addi %gather3A, %add3A_78 : vector<16xi32>
        %add3A_80 = arith.addi %add3A_79, %iota3A : vector<16xi32>
        %gather3A_81 = tpu.vector_load_idx %arg8[%broadcast_in_dim3A_70, %add3A_80] : memref<640x128xf32, #tpu.memory_space<vmem>>[vector<16xi32>, vector<16xi32>], vector<16xf32>,
        %add3A_82 = arith.addf %scan3A_66, %gather3A_81 : vector<16xf32>
        %add3A_83 = arith.constant 32 : i32
        %add3A_84 = vector.broadcast %add3A_83 : i32 to vector<16xi32>
        %add3A_85 = arith.addi %gather3A, %add3A_84 : vector<16xi32>
        %add3A_86 = arith.addi %add3A_85, %iota3A : vector<16xi32>
        %gather3A_87 = tpu.vector_load_idx %arg8[%broadcast_in_dim3A_70, %add3A_86] : memref<640x128xf32, #tpu.memory_space<vmem>>[vector<16xi32>, vector<16xi32>], vector<16xf32>,
        %add3A_88 = arith.addf %scan3A_67, %gather3A_87 : vector<16xf32>
        %add3A_89 = arith.constant 48 : i32
        %add3A_90 = vector.broadcast %add3A_89 : i32 to vector<16xi32>
        %add3A_91 = arith.addi %gather3A, %add3A_90 : vector<16xi32>
        %add3A_92 = arith.addi %add3A_91, %iota3A : vector<16xi32>
        %gather3A_93 = tpu.vector_load_idx %arg8[%broadcast_in_dim3A_70, %add3A_92] : memref<640x128xf32, #tpu.memory_space<vmem>>[vector<16xi32>, vector<16xi32>], vector<16xf32>,
        %add3A_94 = arith.addf %scan3A_68, %gather3A_93 : vector<16xf32>
        scf.yield %add3A_76, %add3A_82, %add3A_88, %add3A_94 : vector<16xf32>, vector<16xf32>, vector<16xf32>, vector<16xf32>
      }
      %scan3A_32 = arith.constant 20 : i32
      %mul3A_33 = vector.broadcast %scan3A_14 : f32 to vector<16xf32>
      %mul3A_34 = arith.mulf %scan3A_31#0, %mul3A_33 : vector<16xf32>
      %mul3A_35 = arith.constant 64 : i32
      %mul3A_36 = arith.muli %scan3A_24, %mul3A_35 : i32
      %add3A_37 = arith.constant 0 : i32
      %add3A_38 = arith.addi %mul3A_36, %add3A_37 : i32
      %swap3A = arith.index_cast %add3A_38 : i32 to index
      %swap3A_39 = tpu.vector_load %arg9[%swap3A] {strides = array<i32>} : memref<2048xf32, #tpu.memory_space<vmem>>, vector<16xf32>,
      tpu.vector_store %arg9[%swap3A], %mul3A_34 {strides = array<i32>} : memref<2048xf32, #tpu.memory_space<vmem>>, vector<16xf32>,
      %mul3A_40 = vector.broadcast %scan3A_14 : f32 to vector<16xf32>
      %mul3A_41 = arith.mulf %scan3A_31#1, %mul3A_40 : vector<16xf32>
      %mul3A_42 = arith.constant 64 : i32
      %mul3A_43 = arith.muli %scan3A_24, %mul3A_42 : i32
      %add3A_44 = arith.constant 16 : i32
      %add3A_45 = arith.addi %mul3A_43, %add3A_44 : i32
      %swap3A_46 = arith.index_cast %add3A_45 : i32 to index
      %swap3A_47 = tpu.vector_load %arg9[%swap3A_46] {strides = array<i32>} : memref<2048xf32, #tpu.memory_space<vmem>>, vector<16xf32>,
      tpu.vector_store %arg9[%swap3A_46], %mul3A_41 {strides = array<i32>} : memref<2048xf32, #tpu.memory_space<vmem>>, vector<16xf32>,
      %mul3A_48 = vector.broadcast %scan3A_14 : f32 to vector<16xf32>
      %mul3A_49 = arith.mulf %scan3A_31#2, %mul3A_48 : vector<16xf32>
      %mul3A_50 = arith.constant 64 : i32
      %mul3A_51 = arith.muli %scan3A_24, %mul3A_50 : i32
      %add3A_52 = arith.constant 32 : i32
      %add3A_53 = arith.addi %mul3A_51, %add3A_52 : i32
      %swap3A_54 = arith.index_cast %add3A_53 : i32 to index
      %swap3A_55 = tpu.vector_load %arg9[%swap3A_54] {strides = array<i32>} : memref<2048xf32, #tpu.memory_space<vmem>>, vector<16xf32>,
      tpu.vector_store %arg9[%swap3A_54], %mul3A_49 {strides = array<i32>} : memref<2048xf32, #tpu.memory_space<vmem>>, vector<16xf32>,
      %mul3A_56 = vector.broadcast %scan3A_14 : f32 to vector<16xf32>
      %mul3A_57 = arith.mulf %scan3A_31#3, %mul3A_56 : vector<16xf32>
      %mul3A_58 = arith.constant 64 : i32
      %mul3A_59 = arith.muli %scan3A_24, %mul3A_58 : i32
      %add3A_60 = arith.constant 48 : i32
      %add3A_61 = arith.addi %mul3A_59, %add3A_60 : i32
      %swap3A_62 = arith.index_cast %add3A_61 : i32 to index
      %swap3A_63 = tpu.vector_load %arg9[%swap3A_62] {strides = array<i32>} : memref<2048xf32, #tpu.memory_space<vmem>>, vector<16xf32>,
      tpu.vector_store %arg9[%swap3A_62], %mul3A_57 {strides = array<i32>} : memref<2048xf32, #tpu.memory_space<vmem>>, vector<16xf32>,
    }
    %scan3A_19 = arith.constant 32 : i32
    %mul3A_20 = arith.constant 32 : i32
    %mul3A_21 = arith.muli %add3A, %mul3A_20 : i32
    %mul3A_22 = arith.constant 64 : i32
    %mul3A_23 = arith.muli %mul3A_21, %mul3A_22 : i32
    "tpu.region"() ({
      %run_scoped3A = tpu.sem_alloc : memref<!tpu.dma_semaphore, #tpu.memory_space<semaphore_mem>>
      %dma_start3A_24 = tpu.memref_slice %arg4[%mul3A_23] : memref<65536xf32, #tpu.memory_space<hbm>> -> memref<2048xf32, #tpu.memory_space<hbm>>
      %dma_start3A_25 = tpu.memref_slice %arg4[%mul3A_23] : memref<65536xf32, #tpu.memory_space<hbm>> -> memref<2048xf32, #tpu.memory_space<hbm>>
      tpu.enqueue_dma source(%arg9 : memref<2048xf32, #tpu.memory_space<vmem>>) target(%dma_start3A_25 : memref<2048xf32, #tpu.memory_space<hbm>>) target_semaphore(%run_scoped3A : memref<!tpu.dma_semaphore, #tpu.memory_space<semaphore_mem>>)
      %dma_wait3A_26 = tpu.memref_slice %arg4[%mul3A_23] : memref<65536xf32, #tpu.memory_space<hbm>> -> memref<2048xf32, #tpu.memory_space<hbm>>
      %dma_wait3A_27 = tpu.memref_slice %arg4[%mul3A_23] : memref<65536xf32, #tpu.memory_space<hbm>> -> memref<2048xf32, #tpu.memory_space<hbm>>
      tpu.wait_dma2 semaphore(%run_scoped3A : memref<!tpu.dma_semaphore, #tpu.memory_space<semaphore_mem>>) src(%arg9 : memref<2048xf32, #tpu.memory_space<vmem>>) dst(%dma_wait3A_27 : memref<2048xf32, #tpu.memory_space<hbm>>)
      tpu.yield
    }) : () -> ()
    return
  }
}

module attributes {stable_mosaic.version = 14 : i64} {
  func.func @_mm_body(%arg0: i32, %arg1: memref<1024x64xf32, #tpu.memory_space<vmem>>, %arg2: memref<2048x64xf32, #tpu.memory_space<vmem>>, %arg3: memref<1x2048xf32, #tpu.memory_space<vmem>>, %arg4: memref<1024x2048xf32, #tpu.memory_space<vmem>>) attributes {dimension_semantics = [#tpu.dimension_semantics<parallel>], iteration_bounds = array<i64: 49>, scalar_prefetch = 0 : i64, scratch_operands = 0 : i64, tpu.core_type = #tpu.core_type<tc>, window_params = [{pipeline_mode = #tpu.pipeline_mode<synchronous>, transform_indices = @transform_0, window_bounds = array<i64: 1024, 64>}, {transform_indices = @transform_1, window_bounds = array<i64: 2048, 64>}, {transform_indices = @transform_2, window_bounds = array<i64: 1, 2048>}, {transform_indices = @transform_3, window_bounds = array<i64: 1024, 2048>}]} {
    %get3A = arith.constant 0 : index
    %get3A_0 = arith.constant 0 : index
    %get3A_1 = vector.load %arg1[%get3A, %get3A_0] : memref<1024x64xf32, #tpu.memory_space<vmem>>, vector<1024x64xf32>
    %convert_element_type3A = arith.truncf %get3A_1 : vector<1024x64xf32> to vector<1024x64xbf16>
    %get3A_2 = arith.constant 0 : index
    %get3A_3 = arith.constant 0 : index
    %get3A_4 = vector.load %arg2[%get3A_2, %get3A_3] : memref<2048x64xf32, #tpu.memory_space<vmem>>, vector<2048x64xf32>
    %convert_element_type3A_5 = arith.truncf %get3A_4 : vector<2048x64xf32> to vector<2048x64xbf16>
    %dot_general3A = arith.constant dense<0.000000e+00> : vector<1024x2048xf32>
    %dot_general3A_6 = tpu.matmul %convert_element_type3A, %convert_element_type3A_5, %dot_general3A {dimension_numbers = #tpu.dot_dimension_numbers<[1], [1], [0], [0], [0, 0, 1, 0], [], []>, transpose_lhs_hint = false} : vector<1024x64xbf16>, vector<2048x64xbf16>, vector<1024x2048xf32> -> vector<1024x2048xf32>
    %get3A_7 = arith.constant 0 : index
    %get3A_8 = arith.constant 0 : index
    %get3A_9 = vector.load %arg3[%get3A_7, %get3A_8] : memref<1x2048xf32, #tpu.memory_space<vmem>>, vector<1x2048xf32>
    %get3A_10 = vector.shape_cast %get3A_9 : vector<1x2048xf32> to vector<2048xf32>
    %broadcast_in_dim3A = vector.shape_cast %get3A_10 : vector<2048xf32> to vector<1x2048xf32>
    %add3A = vector.broadcast %broadcast_in_dim3A : vector<1x2048xf32> to vector<1024x2048xf32>
    %add3A_11 = arith.addf %dot_general3A_6, %add3A : vector<1024x2048xf32>
    %swap3A = arith.constant 0 : index
    %swap3A_12 = arith.constant 0 : index
    %swap3A_13 = vector.load %arg4[%swap3A, %swap3A_12] : memref<1024x2048xf32, #tpu.memory_space<vmem>>, vector<1024x2048xf32>
    tpu.vector_store %arg4[%swap3A, %swap3A_12], %add3A_11 {strides = array<i32>} : memref<1024x2048xf32, #tpu.memory_space<vmem>>, vector<1024x2048xf32>,
    return
  }
  func.func @transform_0(%arg0: i32) -> (i32, i32) {
    %c0_i32 = arith.constant 0 : i32
    %c0_i32_0 = arith.constant 0 : i32
    %c0_i32_1 = arith.constant 0 : i32
    return %c0_i32, %c0_i32_0 : i32, i32
  }
  func.func @transform_1(%arg0: i32) -> (i32, i32) {
    %c0_i32 = arith.constant 0 : i32
    %c0_i32_0 = arith.constant 0 : i32
    return %arg0, %c0_i32 : i32, i32
  }
  func.func @transform_2(%arg0: i32) -> (i32, i32) {
    %c0_i32 = arith.constant 0 : i32
    %c0_i32_0 = arith.constant 0 : i32
    return %c0_i32, %arg0 : i32, i32
  }
  func.func @transform_3(%arg0: i32) -> (i32, i32) {
    %c0_i32 = arith.constant 0 : i32
    %c0_i32_0 = arith.constant 0 : i32
    return %c0_i32, %arg0 : i32, i32
  }
}

</mosaic_0001>

<sc_bundles>
// kernel: kernel.4.cloned.1.call-start
scs
__scs_entry_jumppad:
0x0: {  	(pc) =	sbr.rel $0x88, $3  }
0x1: {  	(tag) =	ssettag $0x0;
	lr =	simm.s32 $0x1  }
0x2: {  	[smem:$0x3F9D] =	sst lr;
	_ =	strace $0xD0000000  }
0x3: {  	_ = 	snop  }
0x4: {  	_ = 	snop  }
0x5: {  	_ = 	snop  }
0x6: {  	_ = 	snop  }
0x7: {  	_ = 	snop  }
__scs_overlays_trampoline_lowered:
0x8: {  	[smem:$0x3FAC] =	sst s0  }
0x9: {  	[smem:$0x3FAD] =	sst s1  }
0xa: {  	[smem:$0x3FAE] =	sst s2  }
0xb: {  	[smem:$0x3FAF] =	sst s3  }
0xc: {  	[smem:$0x3FB0] =	sst s4  }
0xd: {  	[smem:$0x3FB1] =	sst s5  }
0xe: {  	[smem:$0x3FB2] =	sst s6  }
0xf: {  	[smem:$0x3FB3] =	sst s7  }
0x10: {  	[smem:$0x3FB4] =	sst s8  }
0x11: {  	[smem:$0x3FB5] =	sst s9;
	s0 =	simm.s32 @!p0 $0x0  }
0x12: {  	s1 =	sld [smem:$0x3F9B];
	s0 =	simm.s32 @p0 $0x1  }
0x13: {  	[smem:$0x3FB6] =	sst s0;
	s0 =	simm.s32 @!p1 $0x0  }
0x14: {  	s2 =	sld [smem:$0x3F9A];
	s0 =	simm.s32 @p1 $0x1  }
0x15: {  	[smem:$0x3FB7] =	sst s0;
	s0 =	simm.s32 @!p2 $0x0  }
0x16: {  	s3 =	sld [smem:$0x3FDB];
	s0 =	simm.s32 @p2 $0x1  }
0x17: {  	s4 =	simm.s32 $0x1BF5;
	[smem:$0x3FB9] =	sst s0  }
0x18: {  	s0 =	sld [smem:$0x3F9C];
	_ =	swait.ge [sflag:s4], $0x0  }
0x19: {  	s7 =	sld [smem:$0x3F9D]  }
0x1a: {  	s8 =	sadd.s32 $0xFFFFE003, lr  }
0x1b: {  	s9 =	sadd.s32 $0xFFFFFEF7, lr;
	s5 =	simm.s32 $0xFFFFFFFF;
	p2 =	slt.u32 s8, $0xFFFFF086  }
0x1c: {  	p1 =	slt.u32 s9, $0xF7A;
	s5 =	simm.s32 @!p2 $0x0  }
0x1d: {  	s5 =	simm.s32 @p1 $0x1;
	p0 =	seq.s32 s7, s2  }
0x1e: {  	s7 =	smul.u32 @!p0 $0xF7A, s2;
	p2 =	seq.s32 @!p0 s5, $0x0  }
0x1f: {  	s9 =	smul.u32 $0xF7A, s1;
	s8 =	simm.s32 @!p0 $0x1BF5;
	p2 =	por !p2, p0  }
0x20: {  	[sflag:s8] =	ssyncset.s32 @!p0 $0xFFFFF086;
	s6 =	sadd.s32 @!p0 s3, s7;
	s7 =	simm.s32 @!p0 $0x108  }
0x21: {  	s3 =	sadd.s32 s3, s9;
	s6 =	sadd.s32 @!p0 $0x88, s6;
	s7 =	simm.s32 @p2 $0x1082  }
0x22: {  	[simem:s7], [sflag:s8] =	dma.local @!p0 [hbm:s6], $0xF7A  }
0x23: {  	s9 =	sor.u32 $0xD0000000, s2;
	s6 =	simm.s32 $0x108;
	_ =	swait.ge @!p0 [sflag:s8], $0x0  }
0x24: {  	s3 =	sadd.s32 $0x88, s3;
	s6 =	simm.s32 @!p1 $0x1082;
	[sflag:s4] =	ssyncset.s32 $0xFFFFF086  }
0x25: {  	[simem:s6], [sflag:s4] =	dma.local [hbm:s3], $0xF7A  }
0x26: {  	[smem:$0x3F9D] =	sst s1;
	(tag) =	ssettag s2;
	_ =	strace s9  }
0x27: {  	s1 =	sld [smem:$0x3FAD]  }
0x28: {  	s2 =	sld [smem:$0x3FAE]  }
0x29: {  	s4 =	sld [smem:$0x3FB0]  }
0x2a: {  	p0 =	seq.s32 s5, $0x0;
	s5 =	sld [smem:$0x3FB1]  }
0x2b: {  	s6 =	sld [smem:$0x3FB2]  }
0x2c: {  	s7 =	sld [smem:$0x3FB3]  }
0x2d: {  	s3 =	simm.s32 $0x108;
	s8 =	sld [smem:$0x3FB4]  }
0x2e: {  	s3 =	simm.s32 @!p0 $0x1082;
	s9 =	sld [smem:$0x3FB5]  }
0x2f: {  	lr =	sadd.s32 s0, s3;
	s0 =	sld [smem:$0x3FAC]  }
0x30: {  	s3 =	sld [smem:$0x3FAF]  }
0x31: {  	[smem:$0x3FB8] =	sst s10  }
0x32: {  	s10 =	sld [smem:$0x3FB6];
	_ =	sdelay $0x3  }
0x33: {  	p0 =	seq.s32 s10, $0x1;
	s10 =	sld [smem:$0x3FB8];
	_ =	sdelay $0x3  }
0x34: {  	[smem:$0x3FB8] =	sst s10  }
0x35: {  	s10 =	sld [smem:$0x3FB7];
	_ =	sdelay $0x3  }
0x36: {  	p1 =	seq.s32 s10, $0x1;
	s10 =	sld [smem:$0x3FB8];
	_ =	sdelay $0x3  }
0x37: {  	[smem:$0x3FB8] =	sst s10  }
0x38: {  	s10 =	sld [smem:$0x3FB9]  }
0x39: {  	_ = 	snop;
	(pc) =	sbr.ind lr, $3  }
0x3a: {  	_ = 	snop  }
0x3b: {  	_ = 	snop  }
0x3c: {  	p2 =	seq.s32 s10, $0x1;
	s10 =	sld [smem:$0x3FB8]  }
0x3d: {  	_ =	shalt  }
0x3e: {  	_ =	shalt  }
0x3f: {  	_ =	shalt  }
0x40: {  	_ =	shalt  }
0x41: {  	_ =	shalt  }
0x42: {  	_ =	shalt  }
0x43: {  	_ =	shalt  }
0x44: {  	_ =	shalt  }
0x45: {  	_ =	shalt  }
0x46: {  	_ =	shalt  }
0x47: {  	_ =	shalt  }
0x48: {  	_ =	shalt  }
0x49: {  	_ =	shalt  }
0x4a: {  	_ =	shalt  }
0x4b: {  	_ =	shalt  }
0x4c: {  	_ =	shalt  }
0x4d: {  	_ =	shalt  }
0x4e: {  	_ =	shalt  }
0x4f: {  	_ =	shalt  }
0x50: {  	_ =	shalt  }
0x51: {  	_ =	shalt  }
0x52: {  	_ =	shalt  }
0x53: {  	_ =	shalt  }
0x54: {  	_ =	shalt  }
0x55: {  	_ =	shalt  }
0x56: {  	_ =	shalt  }
0x57: {  	_ =	shalt  }
0x58: {  	_ =	shalt  }
0x59: {  	_ =	shalt  }
0x5a: {  	_ =	shalt  }
0x5b: {  	_ =	shalt  }
0x5c: {  	_ =	shalt  }
0x5d: {  	_ =	shalt  }
0x5e: {  	_ =	shalt  }
0x5f: {  	_ =	shalt  }
0x60: {  	_ =	shalt  }
0x61: {  	_ =	shalt  }
0x62: {  	_ =	shalt  }
0x63: {  	_ =	shalt  }
0x64: {  	_ =	shalt  }
0x65: {  	_ =	shalt  }
0x66: {  	_ =	shalt  }
0x67: {  	_ =	shalt  }
0x68: {  	_ =	shalt  }
0x69: {  	_ =	shalt  }
0x6a: {  	_ =	shalt  }
0x6b: {  	_ =	shalt  }
0x6c: {  	_ =	shalt  }
0x6d: {  	_ =	shalt  }
0x6e: {  	_ =	shalt  }
0x6f: {  	_ =	shalt  }
0x70: {  	_ =	shalt  }
0x71: {  	_ =	shalt  }
0x72: {  	_ =	shalt  }
0x73: {  	_ =	shalt  }
0x74: {  	_ =	shalt  }
0x75: {  	_ =	shalt  }
0x76: {  	_ =	shalt  }
0x77: {  	_ =	shalt  }
0x78: {  	_ =	shalt  }
0x79: {  	_ =	shalt  }
0x7a: {  	_ =	shalt  }
0x7b: {  	_ =	shalt  }
0x7c: {  	_ =	shalt  }
0x7d: {  	_ =	shalt  }
0x7e: {  	_ =	shalt  }
0x7f: {  	_ =	shalt  }
0x80: {  	_ =	shalt  }
0x81: {  	_ =	shalt  }
0x82: {  	_ =	shalt  }
0x83: {  	_ =	shalt  }
0x84: {  	_ =	shalt  }
0x85: {  	_ =	shalt  }
0x86: {  	_ =	shalt  }
0x87: {  	_ =	shalt  }
.Lfunc_end0:
.L_simem_size_0:
called_computation_lowered:
.L_overlay_start_0:
0x88: {  	s2 =	sld [smem:$0x3FD9]  }
0x89: {  	s3 =	sld [smem:$0x3FFE];
	_ =	sdelay $0x1  }
0x8a: {  	s1 =	srdreg.scid  }
0x8b: {  	s0 =	sand.u32 $0x1, s1  }
0x8c: {  	s16 =	sshll.u32 s0, $0xA;
	s2 =	sadd.s32 s3, s2  }
0x8d: {  	s2 =	sadd.s32 s2, s16  }
0x8e: {  	[smem:$0x3FC4] =	sst s2  }
0x8f: {  	_ = 	snop  }
0x90: {  	(tm) =	ssettm $0x1  }
0x91: {  	s17 =	sld [smem:$0x3FFB];
	_ =	sdelay $0x3  }
0x92: {  	_ =	strace s17  }
0x93: {  	s2 =	sld [smem:$0x3FFC];
	_ =	sdelay $0x3  }
0x94: {  	_ =	strace s2  }
0x95: {  	s2 =	sld [smem:$0x3FFD];
	_ =	sdelay $0x3  }
0x96: {  	_ =	strace s2  }
0x97: {  	_ =	strace $0x8FFFFFFF  }
0x98: {  	s18 =	sld [smem:$0x3FDB];
	_ =	sdelay $0x1  }
0x99: {  	s19 =	simm.s32 $_scs_section_size  }
0x9a: {  	s4 =	simm.s32 $_size__tile_overlayer_lowered;
	s5 =	simm.s32 $_tile_overlayer_lowered  }
0x9b: {  	s22 =	simm.s32 $0x1BFF;
	s21 =	sshll.u32 s5, $0x1;
	s2 =	sadd.s32 s19, s18  }
0x9c: {  	s6 =	simm.s32 $0x0;
	s20 =	sshll.u32 s4, $0x1;
	s4 =	sadd.s32 s21, s2  }
0x9d: {  	[timem:s6], [sflag:s22] =	dma.local [hbm:s4], s20  }
0x9e: {  	_ =	swait.ge [sflag:s22], s20  }
0x9f: {  	s3 =	ssub.s32 $0x0, s20;
	[sflag:s22] =	ssyncset.done $0x0  }
0xa0: {  	[sflag:s22] =	ssyncadd.s32 s3;
	_ =	sdelay $0x1  }
0xa1: {  	s23 =	simm.s32 $0x1B8B  }
0xa2: {  	_ =	swait.ge [sflag:s23], $0x1  }
0xa3: {  	[sflag:s23] =	ssyncset.done $0x0  }
0xa4: {  	s25 =	simm.s32 $0x1B8E;
	s24 =	sld [smem:$0x3FFE];
	[sflag:s23] =	ssyncadd.s32 $0xFFFFFFFF  }
0xa5: {  	s26 =	simm.s32 $execute0_lowered;
	[smem:$0x3FD2] =	sst s25  }
0xa6: {  	s4 =	sshll.u32 s26, $0x1;
	_ =	strace $0x80000046;
	[dreg:$0x1] =	wrdreg $0xFFFFFFFF  }
0xa7: {  	s28 =	simm.s32 $_size_execute0_lowered;
	s2 =	sadd.s32 s2, s4;
	[dreg:$0x0] =	wrdreg $0x0  }
0xa8: {  	s4 =	sshll.u32 s28, $0x1;
	[dreg:$0x2] =	wrdreg s2  }
0xa9: {  	[dreg:$0x3] =	wrdreg s4  }
0xaa: {  	[dreg:$0x4] =	wrdreg $0xC0  }
0xab: {  	_ =	task [dreg:s6], $0x5FFFF  }
0xac: {  	[dreg:$0x1] =	wrdreg $0xFFFFFFFF  }
0xad: {  	[dreg:$0x0] =	wrdreg $0x60  }
0xae: {  	[dreg:$0x2] =	wrdreg s24  }
0xaf: {  	[dreg:$0x3] =	wrdreg $0x9  }
0xb0: {  	_ =	task.clear_ibuf [dreg:s6], $0x4FFFF;
	_ =	strace $0x90000046  }
0xb1: {  	s29 =	simm.s32 $0x9;
	_ =	strace $0x80000048  }
0xb2: {  	_ =	swait.ge [sflag:s29], $0x1  }
0xb3: {  	[sflag:s29] =	ssyncadd.s32 $0xFFFFFFFF  }
0xb4: {  	_ =	strace $0x90000048  }
0xb5: {  	_ =	sfence  }
0xb6: {  	s30 =	sld [smem:$0x0];
	_ =	sdelay $0x2  }
0xb7: {  	s31 =	sshll.u32 s1, $0xD;
	s1 =	sshrl.u32 s1, $0x2  }
0xb8: {  	s3 =	sand.u32 $0x4000, s31;
	s1 =	sadd.s32 s1, s30  }
0xb9: {  	s0 =	sor.u32 s3, s0;
	s1 =	sshll.u32 s1, $0x11  }
0xba: {  	s0 =	sor.u32 s1, s0  }
0xbb: {  	s0 =	sadd.s32 $0x8F2B, s0  }
0xbc: {  	[sflag:s0] =	ssyncadd.remote.s32 $0x1  }
0xbd: {  	_ =	sfence.sel $0xFFFF  }
0xbe: {  	[dreg:$0x0] =	wrdreg $0xFFFFFFFF;
	(pc) =	sbr.abs _section_cstart, $3  }
0xbf: {  	[dreg:$0x1] =	wrdreg $0xFFFFFFFF  }
0xc0: {  	_ =	task.clear_ibuf [dreg:s6], $0x2FFFF;
	_ =	strace $0x9FFFFFFF  }
0xc1: {  	(tm) =	ssettm $0x7FFFFFFF  }
tec
execute0_lowered:
.L_overlay_start_1:
0x0: {  	(tag) =	ssettag $0x1  }
0x1: {  	s1 =	srdreg.scid  }
0x2: {  	s0 =	stileid.u32;
	s4 =	rddreg [dreg:$0x0];
	s2 =	simm.s32 $0x0  }
0x3: {  	s9 =	simm.s32 $0x780;
	s10 =	simm.s32 $0x1;
	s11 =	simm.s32 $0x500  }
0x4: {  	s12 =	simm.s32 $0x14780;
	s3 =	sand.u32 $0x1, s1;
	s1 =	rddreg [dreg:$0x1]  }
0x5: {  	s13 =	simm.s32 $0x0;
	s31 =	sshll.u32 s0, $0x1;
	[smem:$0x7FF] =	sst s2  }
0x6: {  	s5 =	sor.u32 s3, s31;
	_ =	strace $0x80000047;
	s7 =	ssub.s32 $0x2, s3  }
0x7: {  	s6 =	smul.u32 $0x50, s5;
	s5 =	sshll.u32 s5, $0x8;
	s8 =	sshrl.u32 s7, $0x1  }
0x8: {  	s3 =	sadd.s32 $0x2C00, s4;
	s5 =	sadd.s32 s5, s4;
	s7 =	ssub.s32 s7, s8  }
0x9: {  	v0 =	vlaneseq.u32;
	s8 =	simm.s32 $0x280;
	s6 =	sadd.s32 s6, s4;
	s5 =	sadd.s32 $0xC6200, s5  }
0xa: {  	v1 =	vor.u32 $0x10, v0;
	v2 =	vor.u32 $0x20, v0;
	v3 =	vor.u32 $0x30, v0;
	s4 =	sadd.s32 $0x2200, s6;
	s6 =	smax.u32 s7, $0x1;
	s7 =	simm.s32 $0x2  }
.LBB2_1:
0xb: {  	[tilespmem:s2], [sflag:$0x2] =	stream.linear.gather [hbm4b:s4+s2], $0x280, $0x38;
	[tilespmem:$0x14F80] =	vst v63  }
0xc: {  	_ =	swait.ge [sflag:s7], $0x280  }
0xd: {  	[sflag:s7] =	ssyncset.done $0x0  }
0xe: {  	s14 =	simm.s32 $0x0;
	[sflag:s7] =	ssyncadd.s32 $0xFFFFFD80  }
0xf: {  	v4 =	vld [tilespmem:s14+$0x0]  }
0x10: {  	s15 =	simm.s32 $0x40  }
.LBB2_2:
0x11: {  	p0 =	sne.s32 s15, $0x9C0  }
.Ltmp0:
0x12: {  	_ = 	snop;
	(pc) =	sbr.rel @p0 .LBB2_2-.Ltmp0, $4  }
0x13: {  	_ = 	snop  }
0x14: {  	s16 =	sshra.s32 s15, $0x2;
	s15 =	sadd.s32 $0x40, s15;
	v5 =	vshrl.u32 v4, $0x1;
	v6 =	vshll.u32 v4, $0x6  }
0x15: {  	v4 =	vld [tilespmem:s16+$0x0];
	[tilespmem:s14+$0x280] =	vst v5;
	v5 =	vand.u32 $0x40, v6  }
0x16: {  	[tilespmem:s14+$0x500] =	vst v5;
	s14 =	smov.u32 s16  }
0x17: {  	_ =	sdelay $0x2  }
0x18: {  	v5 =	vshrl.u32 v4, $0x1;
	v4 =	vshll.u32 v4, $0x6  }
0x19: {  	[tilespmem:s14+$0x280] =	vst v5;
	v4 =	vand.u32 $0x40, v4  }
0x1a: {  	[tilespmem:s14+$0x500] =	vst v4  }
0x1b: {  	[tilespmem:s9], [sflag:$0x1] =	stream.indirect.gather [hbm4b:s3+s8], $0x80, s8, s8, $0xb8;
	[tilespmem:$0x14F80] =	vst v63  }
0x1c: {  	_ =	swait.ge [sflag:s10], $0x14000  }
0x1d: {  	[sflag:s10] =	ssyncset.done $0x0  }
0x1e: {  	s15 =	simm.s32 $0x0;
	s14 =	simm.s32 $0x0;
	[sflag:s10] =	ssyncadd.s32 $0xFFFEC000  }
.LBB2_4:
0x1f: {  	s16 =	sadd.s32 $0x0, s14  }
0x20: {  	v5 =	vmov s16  }
0x21: {  	s30 =	sadd.s32 $0x2, s14  }
0x22: {  	v14 =	vmov s30  }
0x23: {  	s29 =	sadd.s32 $0x1, s14  }
0x24: {  	v7 =	vmov s29  }
0x25: {  	v6 =	vld.idx.msk [tilespmem:v5+s11+$0x0], $0xffff;
	_ =	sdelay $0x1  }
0x26: {  	v17 =	vld.idx.msk [tilespmem:v14+s11+$0x0], $0xffff;
	_ =	sdelay $0x1  }
0x27: {  	v4 =	vimm.f32 $0.0e+00;
	v5 =	vshll.u32 v5, $0x7;
	v13 =	vld.idx.msk [tilespmem:v7+s11+$0x0], $0xffff;
	v7 =	vshll.u32 v7, $0x7  }
0x28: {  	v14 =	vshll.u32 v14, $0x7;
	v8 =	vadd.s32 v0, v6;
	v9 =	vadd.s32 v3, v6  }
0x29: {  	v10 =	vadd.s32 v1, v6;
	v6 =	vadd.s32 v2, v6;
	v11 =	vand.u32 $0xFFFFFF80, v9  }
0x2a: {  	v22 =	vadd.s32 v1, v17;
	v9 =	vand.u32 $0x7F, v9;
	v11 =	vadd.s32 v5, v11  }
0x2b: {  	v12 =	vand.u32 $0xFFFFFF80, v8;
	v8 =	vand.u32 $0x7F, v8;
	v9 =	vor.u32 v9, v11  }
0x2c: {  	v11 =	vadd.s32 v5, v12;
	v12 =	vand.u32 $0xFFFFFF80, v10;
	v10 =	vand.u32 $0x7F, v10  }
0x2d: {  	v8 =	vor.u32 v8, v11;
	v11 =	vand.u32 $0xFFFFFF80, v6;
	v12 =	vadd.s32 v5, v12  }
0x2e: {  	v6 =	vand.u32 $0x7F, v6;
	v5 =	vadd.s32 v5, v11;
	v10 =	vor.u32 v10, v12  }
0x2f: {  	v11 =	vadd.s32 v1, v13;
	v12 =	vadd.s32 v3, v13;
	v6 =	vor.u32 v6, v5  }
0x30: {  	v5 =	vadd.s32 v0, v13;
	v13 =	vadd.s32 v2, v13;
	v15 =	vand.u32 $0xFFFFFF80, v12;
	v9 =	vld.idx.msk [tilespmem:v9+s9+$0x0], $0xffff  }
0x31: {  	v12 =	vand.u32 $0x7F, v12;
	v18 =	vand.u32 $0xFFFFFF80, v11;
	v15 =	vadd.s32 v7, v15  }
0x32: {  	v11 =	vand.u32 $0x7F, v11;
	v16 =	vand.u32 $0xFFFFFF80, v5;
	v12 =	vor.u32 v12, v15  }
0x33: {  	v19 =	vand.u32 $0xFFFFFF80, v13;
	v5 =	vand.u32 $0x7F, v5;
	v15 =	vadd.s32 v7, v16;
	v8 =	vld.idx.msk [tilespmem:v8+s9+$0x0], $0xffff  }
0x34: {  	v16 =	vadd.s32 v7, v18;
	v7 =	vadd.s32 v7, v19;
	v18 =	vand.u32 $0xFFFFFF80, v22  }
0x35: {  	s31 =	sadd.s32 $0x3, s14;
	v22 =	vand.u32 $0x7F, v22;
	v19 =	vadd.f32 v9, v4;
	v9 =	vor.u32 v5, v15  }
0x36: {  	v11 =	vor.u32 v11, v16;
	v5 =	vand.u32 $0x7F, v13;
	v13 =	vmov s31  }
0x37: {  	v16 =	vadd.s32 v0, v17;
	v25 =	vadd.s32 v14, v18;
	v21 =	vld.idx.msk [tilespmem:v12+s9+$0x0], $0xffff;
	v12 =	vadd.s32 v3, v17  }
0x38: {  	v20 =	vor.u32 v5, v7;
	v5 =	vadd.f32 v8, v4;
	v7 =	vld.idx.msk [tilespmem:v10+s9+$0x0], $0xffff;
	v15 =	vand.u32 $0xFFFFFF80, v12  }
0x39: {  	v10 =	vadd.s32 v2, v17;
	v8 =	vld.idx.msk [tilespmem:v6+s9+$0x0], $0xffff;
	v6 =	vand.u32 $0x7F, v12;
	v12 =	vadd.s32 v14, v15  }
0x3a: {  	v17 =	vand.u32 $0xFFFFFF80, v16;
	v23 =	vand.u32 $0xFFFFFF80, v10;
	v15 =	vor.u32 v6, v12;
	v9 =	vld.idx.msk [tilespmem:v9+s9+$0x0], $0xffff  }
0x3b: {  	v24 =	vadd.s32 v14, v17;
	v18 =	vadd.s32 v14, v23;
	v14 =	vand.u32 $0x7F, v16;
	v17 =	vld.idx.msk [tilespmem:v13+s11+$0x0], $0xffff  }
0x3c: {  	v12 =	vld.idx.msk [tilespmem:v11+s9+$0x0], $0xffff;
	v16 =	vor.u32 v14, v24;
	v14 =	vor.u32 v22, v25  }
0x3d: {  	s17 =	sadd.s32 $0x4, s14;
	s16 =	simm.s32 $0x5;
	v6 =	vadd.f32 v21, v19;
	v19 =	vand.u32 $0x7F, v10;
	v10 =	vimm.f32 $0.0e+00;
	v11 =	vld.idx.msk [tilespmem:v20+s9+$0x0], $0xffff  }
.LBB2_5:
0x3e: {  	p0 =	sne.s32 s16, $0x13;
	v20 =	vmov s17;
	v19 =	vor.u32 v19, v18;
	v4 =	vadd.f32 v7, v4  }
0x3f: {  	v5 =	vadd.f32 v9, v5;
	v10 =	vadd.f32 v8, v10;
	v21 =	vld.idx.msk [tilespmem:v15+s9+$0x0], $0xffff  }
0x40: {  	v22 =	vadd.s32 v0, v17;
	v23 =	vadd.s32 v1, v17;
	v26 =	vadd.s32 v3, v17  }
0x41: {  	v18 =	vshll.u32 v13, $0x7;
	v24 =	vadd.s32 v2, v17;
	v13 =	vmovc v20;
	v9 =	vand.u32 $0xFFFFFF80, v26;
	v7 =	vmovc v12  }
.Ltmp1:
0x42: {  	v12 =	vand.u32 $0xFFFFFF80, v22;
	v15 =	vand.u32 $0x7F, v26;
	v25 =	vadd.s32 v18, v9;
	v8 =	vmovc v11;
	v9 =	vld.idx.msk [tilespmem:v16+s9+$0x0], $0xffff;
	(pc) =	sbr.rel @p0 .LBB2_5-.Ltmp1, $4  }
0x43: {  	v11 =	vand.u32 $0xFFFFFF80, v23;
	v16 =	vand.u32 $0xFFFFFF80, v24;
	v15 =	vor.u32 v15, v25;
	v17 =	vld.idx.msk [tilespmem:v20+s11+$0x0], $0xffff  }
0x44: {  	v25 =	vadd.s32 v18, v11;
	v20 =	vadd.s32 v18, v12;
	v18 =	vadd.s32 v18, v16;
	v12 =	vld.idx.msk [tilespmem:v14+s9+$0x0], $0xffff  }
0x45: {  	v14 =	vand.u32 $0x7F, v22;
	v22 =	vand.u32 $0x7F, v23;
	v6 =	vadd.f32 v21, v6;
	v11 =	vld.idx.msk [tilespmem:v19+s9+$0x0], $0xffff  }
0x46: {  	s17 =	sadd.s32 s16, s14;
	s16 =	sadd.s32 $0x1, s16;
	v16 =	vor.u32 v14, v20;
	v14 =	vor.u32 v22, v25;
	v19 =	vand.u32 $0x7F, v24  }
0x47: {  	v20 =	vmov s17;
	_ =	sdelay $0x2  }
0x48: {  	v18 =	vor.u32 v19, v18;
	v13 =	vshll.u32 v13, $0x7;
	v47 =	vadd.s32 v0, v17  }
0x49: {  	v21 =	vadd.s32 v1, v17;
	v22 =	vadd.s32 v3, v17;
	v48 =	vadd.s32 v2, v17  }
0x4a: {  	v23 =	vand.u32 $0xFFFFFF80, v22;
	v24 =	vand.u32 $0xFFFFFF80, v47;
	v22 =	vand.u32 $0x7F, v22;
	v25 =	vld.idx.msk [tilespmem:v20+s11+$0x0], $0xffff  }
0x4b: {  	v26 =	vand.u32 $0xFFFFFF80, v21;
	v27 =	vand.u32 $0xFFFFFF80, v48;
	v19 =	vand.u32 $0x7F, v47  }
0x4c: {  	v21 =	vand.u32 $0x7F, v21;
	v17 =	vand.u32 $0x7F, v48;
	v23 =	vadd.s32 v13, v23  }
0x4d: {  	v49 =	vadd.s32 v13, v24;
	v50 =	vadd.s32 v13, v26;
	v13 =	vadd.s32 v13, v27  }
0x4e: {  	v22 =	vor.u32 v22, v23;
	v19 =	vor.u32 v19, v49;
	v21 =	vor.u32 v21, v50  }
0x4f: {  	v13 =	vor.u32 v17, v13;
	v20 =	vshll.u32 v20, $0x7;
	v51 =	vadd.s32 v0, v25  }
0x50: {  	v15 =	vld.idx.msk [tilespmem:v15+s9+$0x0], $0xffff;
	v52 =	vadd.s32 v1, v25;
	v53 =	vadd.s32 v3, v25;
	v25 =	vadd.s32 v2, v25  }
0x51: {  	v16 =	vld.idx.msk [tilespmem:v16+s9+$0x0], $0xffff;
	v54 =	vand.u32 $0xFFFFFF80, v51;
	v55 =	vand.u32 $0xFFFFFF80, v52;
	v17 =	vand.u32 $0x7F, v51  }
0x52: {  	v14 =	vld.idx.msk [tilespmem:v14+s9+$0x0], $0xffff;
	v23 =	vand.u32 $0x7F, v52;
	v56 =	vand.u32 $0xFFFFFF80, v25;
	v26 =	vadd.s32 v20, v54  }
0x53: {  	v18 =	vld.idx.msk [tilespmem:v18+s9+$0x0], $0xffff;
	v57 =	vand.u32 $0xFFFFFF80, v53;
	v27 =	vadd.s32 v20, v55;
	v17 =	vor.u32 v17, v26  }
0x54: {  	v22 =	vld.idx.msk [tilespmem:v22+s9+$0x0], $0xffff;
	v25 =	vand.u32 $0x7F, v25;
	v23 =	vor.u32 v23, v27;
	v26 =	vadd.s32 v20, v56  }
0x55: {  	v19 =	vld.idx.msk [tilespmem:v19+s9+$0x0], $0xffff;
	v24 =	vand.u32 $0x7F, v53;
	v20 =	vadd.s32 v20, v57;
	v25 =	vor.u32 v25, v26  }
0x56: {  	v4 =	vadd.f32 v7, v4;
	v59 =	vld.idx.msk [tilespmem:v21+s9+$0x0], $0xffff;
	v58 =	vor.u32 v24, v20  }
0x57: {  	v5 =	vadd.f32 v9, v5;
	v8 =	vadd.f32 v8, v10;
	v60 =	vld.idx.msk [tilespmem:v13+s9+$0x0], $0xffff  }
0x58: {  	v4 =	vadd.f32 v12, v4;
	v61 =	vld.idx.msk [tilespmem:v17+s9+$0x0], $0xffff  }
0x59: {  	v8 =	vadd.f32 v11, v8;
	v5 =	vadd.f32 v16, v5;
	v62 =	vld.idx.msk [tilespmem:v23+s9+$0x0], $0xffff  }
0x5a: {  	v4 =	vadd.f32 v14, v4;
	v63 =	vld.idx.msk [tilespmem:v25+s9+$0x0], $0xffff  }
0x5b: {  	v8 =	vadd.f32 v18, v8;
	v5 =	vadd.f32 v19, v5;
	v7 =	vld.idx.msk [tilespmem:v58+s9+$0x0], $0xffff  }
0x5c: {  	v6 =	vadd.f32 v15, v6;
	v4 =	vadd.f32 v59, v4  }
0x5d: {  	v8 =	vadd.f32 v60, v8;
	v5 =	vadd.f32 v61, v5  }
0x5e: {  	s16 =	sshll.u32 s15, $0x6;
	s15 =	sadd.s32 $0x1, s15;
	v6 =	vadd.f32 v22, v6;
	v4 =	vadd.f32 v62, v4  }
0x5f: {  	p0 =	sne.s32 s15, $0x20;
	v8 =	vadd.f32 v63, v8;
	v5 =	vmul.f32 $5.000000070e-02, v5  }
.Ltmp2:
0x60: {  	s16 =	sand.u32 $0x3FFFFFC0, s16;
	v6 =	vadd.f32 v7, v6;
	v4 =	vmul.f32 $5.000000070e-02, v4;
	(pc) =	sbr.rel @p0 .LBB2_4-.Ltmp2, $4  }
0x61: {  	[tilespmem:s16+$0x14780] =	vst v5;
	v5 =	vmul.f32 $5.000000070e-02, v8  }
0x62: {  	[tilespmem:s16+$0x14790] =	vst v4;
	v4 =	vmul.f32 $5.000000070e-02, v6  }
0x63: {  	[tilespmem:s16+$0x147A0] =	vst v5  }
0x64: {  	s14 =	sadd.s32 $0x14, s14;
	[tilespmem:s16+$0x147B0] =	vst v4  }
0x65: {  	s13 =	sadd.s32 $0x1, s13  }
0x66: {  	p0 =	sne.s32 s13, s6  }
.Ltmp3:
0x67: {  	_ = 	snop;
	(pc) =	sbr.rel @p0 .LBB2_1-.Ltmp3, $4  }
0x68: {  	[hbm4b:s5+s2] =	stream.linear.scatter [tilespmem:s12], [sflag:$0x2], $0x800, $0x38;
	[tilespmem:$0x14F80] =	vst v63  }
0x69: {  	_ =	swait.ge [sflag:s7], $0x800  }
0x6a: {  	[sflag:s7] =	ssyncset.done $0x0  }
0x6b: {  	[sflag:s7] =	ssyncadd.s32 $0xFFFFF800  }
0x6c: {  	_ =	sfence.sel $0x180000  }
0x6d: {  	[bflag:$0x0] =	sbarrier.arrive $0xFFFF  }
0x6e: {  	p0 =	sne.s32 s0, $0x0;
	_ =	strace $0x90000047  }
0x6f: {  	s0 =	sadd.s32 @!p0 $0x100000, s1;
	[bflag:$0x2] =	sbarrier.arrive $0xFFFF  }
0x70: {  	[sflag:s0] =	ssyncadd.tile.s32 @!p0 $0x1;
	_ =	shalt  }
.Lfunc_end2:
_tile_overlayer_lowered:
.L_overlay_start_2:
0x71: {  	(tag) =	ssettag $0x2  }
0x72: {  	s0 =	rddreg [dreg:$0x0];
	s2 =	stileid.u32  }
0x73: {  	s1 =	rddreg [dreg:$0x1];
	p0 =	sne.s32 s2, $0x0  }
0x74: {  	s3 =	rddreg [dreg:$0x2];
	[bflag:$0x3] =	sbarrier.arrive $0xFFFF;
	s2 =	simm.s32 @!p0 $0x1C02  }
0x75: {  	[timem:s3], [sflag:s2] =	dma.local @!p0 [hbm:s0], s1  }
0x76: {  	s0 =	simm.s32 @!p0 $0x2  }
0x77: {  	_ =	swait.ge @!p0 [sflag:s0], s1  }
0x78: {  	s1 =	ssub.s32 @!p0 $0x0, s1;
	[sflag:s0] =	ssyncset.done @!p0 $0x0  }
0x79: {  	[sflag:s0] =	ssyncadd.s32 @!p0 s1  }
0x7a: {  	[bflag:$0x3] =	sbarrier.arrive $0xFFFF  }
0x7b: {  	_ =	shalt  }

</sc_bundles>
